<compile_context>
chip_gen: v7x
topology: tpu7x:2x2x1
jax: 0.10.2.dev20260603
libtpu: 0.0.44.dev20260713+nightly
codegen_flags: <defaults>
</compile_context>

<pallas_src>
import functools

import jax
import jax.numpy as jnp
from jax import lax
from jax.experimental import pallas as pl
from jax.experimental.pallas import tpu as pltpu
from jax.experimental.pallas import tpu_sc as plsc

D_MODEL = 128
MAX_REL = 128
SEQ_LEN = 1024
EREV_ROWS = 2 * SEQ_LEN
ROWS_PER_STEP = 16

_NC = plsc.get_sparse_core_info().num_cores
_ROWS_PER_C = EREV_ROWS // _NC


@functools.partial(
    pl.kernel,
    mesh=plsc.ScalarSubcoreMesh(axis_name="c", num_cores=_NC),
    out_type=jax.ShapeDtypeStruct((EREV_ROWS, D_MODEL), jnp.float32),
    scratch_types=[pltpu.SemaphoreType.DMA],
)
def _sc_build_erev(table_hbm, erev_hbm, sem):
    base = lax.axis_index("c") * _ROWS_PER_C

    def _copy(k):
        idx = jnp.clip((SEQ_LEN - 1) - k, -MAX_REL, MAX_REL) + MAX_REL
        return pltpu.make_async_copy(table_hbm.at[idx], erev_hbm.at[k], sem)

    def _fire(r, carry):
        _copy(base + r).start()
        return carry

    def _drain(r, carry):
        _copy(base + r).wait()
        return carry

    lax.fori_loop(0, _ROWS_PER_C, _fire, 0)
    lax.fori_loop(0, _ROWS_PER_C, _drain, 0)


def _tc_body(erev_ref, out_ref):
    i = pl.program_id(0)
    for r in range(ROWS_PER_STEP):
        row = i * ROWS_PER_STEP + r
        start = (SEQ_LEN - 1) - row
        out_ref[r] = erev_ref[pl.ds(start, SEQ_LEN), :]


def kernel(seq_len, table):
    del seq_len
    erev = _sc_build_erev(table)
    return pl.pallas_call(
        _tc_body,
        grid=(SEQ_LEN // ROWS_PER_STEP,),
        in_specs=[pl.BlockSpec((EREV_ROWS, D_MODEL), lambda i: (0, 0))],
        out_specs=pl.BlockSpec((ROWS_PER_STEP, SEQ_LEN, D_MODEL),
                               lambda i: (i, 0, 0)),
        out_shape=jax.ShapeDtypeStruct((SEQ_LEN, SEQ_LEN, D_MODEL),
                                       jnp.float32),
    )(erev)

# --- scband reference (transcript-rebuilt; emitter-appended) ---
"""Pipeline reference for scband-relative-positional-embedding-16999480557762 (READ-ONLY COPY).

The authoritative reference and input builder live on the scoring server;
editing this copy changes nothing except your own understanding.
"""

import jax, jax.numpy as jnp
import numpy as np

D_MODEL = 128
MAX_REL = 128
SEQ_LEN = 1024

def setup_inputs(seed: int = 0) -> dict:
    key = jax.random.key(seed)
    k1, _ = jax.random.split(key)
    table = jax.random.normal(k1, (2 * MAX_REL + 1, D_MODEL), dtype=jnp.float32) * 0.02
    return {"seq_len": 1024, "table": table}

def reference(seq_len, table):
    seq_len = jnp.asarray(seq_len, dtype=jnp.int32)
    positions = jnp.arange(SEQ_LEN, dtype=jnp.int32) + (seq_len - SEQ_LEN)
    relative_positions = positions[:, None] - positions[None, :]
    relative_positions = jnp.clip(relative_positions, -MAX_REL, MAX_REL)
    relative_positions = relative_positions + MAX_REL
    relative_emb = jnp.take(table, relative_positions, axis=0)
    return relative_emb

if __name__ == "__main__":
    import jax
    _d = setup_inputs()
    print(jax.jit(kernel)(*tuple(_d.values())))

</pallas_src>

<mosaic_0001>
#map = affine_map<(d0) -> (0, 0)>
module attributes {stable_mosaic.version = 14 : i64} {
  func.func @_sc_build_erev(%arg0: i32, %arg1: memref<257x128xf32, #tpu.memory_space<hbm>>, %arg2: memref<2048x128xf32, #tpu.memory_space<hbm>>, %arg3: memref<!tpu.dma_semaphore, #tpu.memory_space<semaphore_mem>>) attributes {dimension_semantics = [#tpu.dimension_semantics<core_parallel>], iteration_bounds = array<i64: 2>, scalar_prefetch = 0 : i64, scratch_operands = 1 : i64, tpu.core_type = #tpu.core_type<sc_scalar_subcore>, window_params = [{transform_indices = #map}, {transform_indices = #map}]} {
    %mul3A = arith.constant 1024 : i32
    %mul3A_0 = arith.muli %arg0, %mul3A : i32
    %scan3A = arith.constant 0 : i32
    %scan3A_1 = arith.constant 0 : i32
    %scan3A_2 = arith.constant 1024 : i32
    %scan3A_3 = arith.addi %scan3A_1, %scan3A_2 : i32
    %scan3A_4 = arith.constant 1 : i32
    scf.for %scan3A_12 = %scan3A_1 to %scan3A_3 step %scan3A_4  : i32 {
      %add3A = arith.addi %mul3A_0, %scan3A_12 : i32
      %sub3A = arith.constant 1023 : i32
      %sub3A_13 = arith.subi %sub3A, %add3A : i32
      %jit3A = arith.constant -128 : i32
      %jit3A_14 = arith.constant 128 : i32
      %max3A = arith.maxsi %jit3A, %sub3A_13 : i32
      %min3A = arith.minsi %jit3A_14, %max3A : i32
      %add3A_15 = arith.constant 128 : i32
      %add3A_16 = arith.addi %min3A, %add3A_15 : i32
      %dma_start3A = arith.constant 0 : i32
      %dma_start3A_17 = tpu.memref_slice %arg2[%add3A, %dma_start3A] : memref<2048x128xf32, #tpu.memory_space<hbm>> -> memref<1x128xf32, #tpu.memory_space<hbm>>
      %dma_start3A_18 = tpu.memref_squeeze %dma_start3A_17 : memref<1x128xf32, #tpu.memory_space<hbm>> -> memref<128xf32, #tpu.memory_space<hbm>>
      %dma_start3A_19 = arith.constant 0 : i32
      %dma_start3A_20 = tpu.memref_slice %arg1[%add3A_16, %dma_start3A_19] : memref<257x128xf32, #tpu.memory_space<hbm>> -> memref<1x128xf32, #tpu.memory_space<hbm>>
      %dma_start3A_21 = tpu.memref_squeeze %dma_start3A_20 : memref<1x128xf32, #tpu.memory_space<hbm>> -> memref<128xf32, #tpu.memory_space<hbm>>
      tpu.enqueue_dma source(%dma_start3A_21 : memref<128xf32, #tpu.memory_space<hbm>>) target(%dma_start3A_18 : memref<128xf32, #tpu.memory_space<hbm>>) target_semaphore(%arg3 : memref<!tpu.dma_semaphore, #tpu.memory_space<semaphore_mem>>)
    }
    %scan3A_5 = arith.constant 1024 : i32
    %scan3A_6 = arith.constant 0 : i32
    %scan3A_7 = arith.constant 0 : i32
    %scan3A_8 = arith.constant 1024 : i32
    %scan3A_9 = arith.addi %scan3A_7, %scan3A_8 : i32
    %scan3A_10 = arith.constant 1 : i32
    scf.for %scan3A_12 = %scan3A_7 to %scan3A_9 step %scan3A_10  : i32 {
      %add3A = arith.addi %mul3A_0, %scan3A_12 : i32
      %sub3A = arith.constant 1023 : i32
      %sub3A_13 = arith.subi %sub3A, %add3A : i32
      %jit3A = arith.constant -128 : i32
      %jit3A_14 = arith.constant 128 : i32
      %max3A = arith.maxsi %jit3A, %sub3A_13 : i32
      %min3A = arith.minsi %jit3A_14, %max3A : i32
      %add3A_15 = arith.constant 128 : i32
      %add3A_16 = arith.addi %min3A, %add3A_15 : i32
      %dma_wait3A = arith.constant 0 : i32
      %dma_wait3A_17 = tpu.memref_slice %arg2[%add3A, %dma_wait3A] : memref<2048x128xf32, #tpu.memory_space<hbm>> -> memref<1x128xf32, #tpu.memory_space<hbm>>
      %dma_wait3A_18 = tpu.memref_squeeze %dma_wait3A_17 : memref<1x128xf32, #tpu.memory_space<hbm>> -> memref<128xf32, #tpu.memory_space<hbm>>
      %dma_wait3A_19 = arith.constant 0 : i32
      %dma_wait3A_20 = tpu.memref_slice %arg1[%add3A_16, %dma_wait3A_19] : memref<257x128xf32, #tpu.memory_space<hbm>> -> memref<1x128xf32, #tpu.memory_space<hbm>>
      %dma_wait3A_21 = tpu.memref_squeeze %dma_wait3A_20 : memref<1x128xf32, #tpu.memory_space<hbm>> -> memref<128xf32, #tpu.memory_space<hbm>>
      tpu.wait_dma2 semaphore(%arg3 : memref<!tpu.dma_semaphore, #tpu.memory_space<semaphore_mem>>) src(%dma_wait3A_21 : memref<128xf32, #tpu.memory_space<hbm>>) dst(%dma_wait3A_18 : memref<128xf32, #tpu.memory_space<hbm>>)
    }
    %scan3A_11 = arith.constant 1024 : i32
    return
  }
}

module attributes {stable_mosaic.version = 14 : i64} {
  func.func @_tc_body(%arg0: i32, %arg1: memref<2048x128xf32, #tpu.memory_space<vmem>>, %arg2: memref<16x1024x128xf32, #tpu.memory_space<vmem>>) attributes {dimension_semantics = [#tpu.dimension_semantics<arbitrary>], iteration_bounds = array<i64: 64>, scalar_prefetch = 0 : i64, scratch_operands = 0 : i64, tpu.core_type = #tpu.core_type<tc>, window_params = [{pipeline_mode = #tpu.pipeline_mode<synchronous>, transform_indices = @transform_0, window_bounds = array<i64: 2048, 128>}, {transform_indices = @transform_1, window_bounds = array<i64: 16, 1024, 128>}]} {
    %mul3A = arith.constant 16 : i32
    %mul3A_0 = arith.muli %arg0, %mul3A : i32
    %add3A = arith.constant 0 : i32
    %add3A_1 = arith.addi %mul3A_0, %add3A : i32
    %sub3A = arith.constant 1023 : i32
    %sub3A_2 = arith.subi %sub3A, %add3A_1 : i32
    %get3A = arith.index_cast %sub3A_2 : i32 to index
    %get3A_3 = arith.constant 0 : index
    %get3A_4 = vector.load %arg1[%get3A, %get3A_3] : memref<2048x128xf32, #tpu.memory_space<vmem>>, vector<1024x128xf32>
    %swap3A = arith.constant 0 : index
    %swap3A_5 = arith.constant 0 : index
    %swap3A_6 = arith.constant 0 : index
    %swap3A_7 = vector.load %arg2[%swap3A, %swap3A_5, %swap3A_6] : memref<16x1024x128xf32, #tpu.memory_space<vmem>>, vector<1x1024x128xf32>
    %swap3A_8 = vector.shape_cast %swap3A_7 : vector<1x1024x128xf32> to vector<1024x128xf32>
    %swap3A_9 = vector.shape_cast %get3A_4 : vector<1024x128xf32> to vector<1x1024x128xf32>
    tpu.vector_store %arg2[%swap3A, %swap3A_5, %swap3A_6], %swap3A_9 {strides = array<i32>} : memref<16x1024x128xf32, #tpu.memory_space<vmem>>, vector<1x1024x128xf32>,
    %mul3A_10 = arith.constant 16 : i32
    %mul3A_11 = arith.muli %arg0, %mul3A_10 : i32
    %add3A_12 = arith.constant 1 : i32
    %add3A_13 = arith.addi %mul3A_11, %add3A_12 : i32
    %sub3A_14 = arith.constant 1023 : i32
    %sub3A_15 = arith.subi %sub3A_14, %add3A_13 : i32
    %get3A_16 = arith.index_cast %sub3A_15 : i32 to index
    %get3A_17 = arith.constant 0 : index
    %get3A_18 = vector.load %arg1[%get3A_16, %get3A_17] : memref<2048x128xf32, #tpu.memory_space<vmem>>, vector<1024x128xf32>
    %swap3A_19 = arith.constant 1 : index
    %swap3A_20 = arith.constant 0 : index
    %swap3A_21 = arith.constant 0 : index
    %swap3A_22 = vector.load %arg2[%swap3A_19, %swap3A_20, %swap3A_21] : memref<16x1024x128xf32, #tpu.memory_space<vmem>>, vector<1x1024x128xf32>
    %swap3A_23 = vector.shape_cast %swap3A_22 : vector<1x1024x128xf32> to vector<1024x128xf32>
    %swap3A_24 = vector.shape_cast %get3A_18 : vector<1024x128xf32> to vector<1x1024x128xf32>
    tpu.vector_store %arg2[%swap3A_19, %swap3A_20, %swap3A_21], %swap3A_24 {strides = array<i32>} : memref<16x1024x128xf32, #tpu.memory_space<vmem>>, vector<1x1024x128xf32>,
    %mul3A_25 = arith.constant 16 : i32
    %mul3A_26 = arith.muli %arg0, %mul3A_25 : i32
    %add3A_27 = arith.constant 2 : i32
    %add3A_28 = arith.addi %mul3A_26, %add3A_27 : i32
    %sub3A_29 = arith.constant 1023 : i32
    %sub3A_30 = arith.subi %sub3A_29, %add3A_28 : i32
    %get3A_31 = arith.index_cast %sub3A_30 : i32 to index
    %get3A_32 = arith.constant 0 : index
    %get3A_33 = vector.load %arg1[%get3A_31, %get3A_32] : memref<2048x128xf32, #tpu.memory_space<vmem>>, vector<1024x128xf32>
    %swap3A_34 = arith.constant 2 : index
    %swap3A_35 = arith.constant 0 : index
    %swap3A_36 = arith.constant 0 : index
    %swap3A_37 = vector.load %arg2[%swap3A_34, %swap3A_35, %swap3A_36] : memref<16x1024x128xf32, #tpu.memory_space<vmem>>, vector<1x1024x128xf32>
    %swap3A_38 = vector.shape_cast %swap3A_37 : vector<1x1024x128xf32> to vector<1024x128xf32>
    %swap3A_39 = vector.shape_cast %get3A_33 : vector<1024x128xf32> to vector<1x1024x128xf32>
    tpu.vector_store %arg2[%swap3A_34, %swap3A_35, %swap3A_36], %swap3A_39 {strides = array<i32>} : memref<16x1024x128xf32, #tpu.memory_space<vmem>>, vector<1x1024x128xf32>,
    %mul3A_40 = arith.constant 16 : i32
    %mul3A_41 = arith.muli %arg0, %mul3A_40 : i32
    %add3A_42 = arith.constant 3 : i32
    %add3A_43 = arith.addi %mul3A_41, %add3A_42 : i32
    %sub3A_44 = arith.constant 1023 : i32
    %sub3A_45 = arith.subi %sub3A_44, %add3A_43 : i32
    %get3A_46 = arith.index_cast %sub3A_45 : i32 to index
    %get3A_47 = arith.constant 0 : index
    %get3A_48 = vector.load %arg1[%get3A_46, %get3A_47] : memref<2048x128xf32, #tpu.memory_space<vmem>>, vector<1024x128xf32>
    %swap3A_49 = arith.constant 3 : index
    %swap3A_50 = arith.constant 0 : index
    %swap3A_51 = arith.constant 0 : index
    %swap3A_52 = vector.load %arg2[%swap3A_49, %swap3A_50, %swap3A_51] : memref<16x1024x128xf32, #tpu.memory_space<vmem>>, vector<1x1024x128xf32>
    %swap3A_53 = vector.shape_cast %swap3A_52 : vector<1x1024x128xf32> to vector<1024x128xf32>
    %swap3A_54 = vector.shape_cast %get3A_48 : vector<1024x128xf32> to vector<1x1024x128xf32>
    tpu.vector_store %arg2[%swap3A_49, %swap3A_50, %swap3A_51], %swap3A_54 {strides = array<i32>} : memref<16x1024x128xf32, #tpu.memory_space<vmem>>, vector<1x1024x128xf32>,
    %mul3A_55 = arith.constant 16 : i32
    %mul3A_56 = arith.muli %arg0, %mul3A_55 : i32
    %add3A_57 = arith.constant 4 : i32
    %add3A_58 = arith.addi %mul3A_56, %add3A_57 : i32
    %sub3A_59 = arith.constant 1023 : i32
    %sub3A_60 = arith.subi %sub3A_59, %add3A_58 : i32
    %get3A_61 = arith.index_cast %sub3A_60 : i32 to index
    %get3A_62 = arith.constant 0 : index
    %get3A_63 = vector.load %arg1[%get3A_61, %get3A_62] : memref<2048x128xf32, #tpu.memory_space<vmem>>, vector<1024x128xf32>
    %swap3A_64 = arith.constant 4 : index
    %swap3A_65 = arith.constant 0 : index
    %swap3A_66 = arith.constant 0 : index
    %swap3A_67 = vector.load %arg2[%swap3A_64, %swap3A_65, %swap3A_66] : memref<16x1024x128xf32, #tpu.memory_space<vmem>>, vector<1x1024x128xf32>
    %swap3A_68 = vector.shape_cast %swap3A_67 : vector<1x1024x128xf32> to vector<1024x128xf32>
    %swap3A_69 = vector.shape_cast %get3A_63 : vector<1024x128xf32> to vector<1x1024x128xf32>
    tpu.vector_store %arg2[%swap3A_64, %swap3A_65, %swap3A_66], %swap3A_69 {strides = array<i32>} : memref<16x1024x128xf32, #tpu.memory_space<vmem>>, vector<1x1024x128xf32>,
    %mul3A_70 = arith.constant 16 : i32
    %mul3A_71 = arith.muli %arg0, %mul3A_70 : i32
    %add3A_72 = arith.constant 5 : i32
    %add3A_73 = arith.addi %mul3A_71, %add3A_72 : i32
    %sub3A_74 = arith.constant 1023 : i32
    %sub3A_75 = arith.subi %sub3A_74, %add3A_73 : i32
    %get3A_76 = arith.index_cast %sub3A_75 : i32 to index
    %get3A_77 = arith.constant 0 : index
    %get3A_78 = vector.load %arg1[%get3A_76, %get3A_77] : memref<2048x128xf32, #tpu.memory_space<vmem>>, vector<1024x128xf32>
    %swap3A_79 = arith.constant 5 : index
    %swap3A_80 = arith.constant 0 : index
    %swap3A_81 = arith.constant 0 : index
    %swap3A_82 = vector.load %arg2[%swap3A_79, %swap3A_80, %swap3A_81] : memref<16x1024x128xf32, #tpu.memory_space<vmem>>, vector<1x1024x128xf32>
    %swap3A_83 = vector.shape_cast %swap3A_82 : vector<1x1024x128xf32> to vector<1024x128xf32>
    %swap3A_84 = vector.shape_cast %get3A_78 : vector<1024x128xf32> to vector<1x1024x128xf32>
    tpu.vector_store %arg2[%swap3A_79, %swap3A_80, %swap3A_81], %swap3A_84 {strides = array<i32>} : memref<16x1024x128xf32, #tpu.memory_space<vmem>>, vector<1x1024x128xf32>,
    %mul3A_85 = arith.constant 16 : i32
    %mul3A_86 = arith.muli %arg0, %mul3A_85 : i32
    %add3A_87 = arith.constant 6 : i32
    %add3A_88 = arith.addi %mul3A_86, %add3A_87 : i32
    %sub3A_89 = arith.constant 1023 : i32
    %sub3A_90 = arith.subi %sub3A_89, %add3A_88 : i32
    %get3A_91 = arith.index_cast %sub3A_90 : i32 to index
    %get3A_92 = arith.constant 0 : index
    %get3A_93 = vector.load %arg1[%get3A_91, %get3A_92] : memref<2048x128xf32, #tpu.memory_space<vmem>>, vector<1024x128xf32>
    %swap3A_94 = arith.constant 6 : index
    %swap3A_95 = arith.constant 0 : index
    %swap3A_96 = arith.constant 0 : index
    %swap3A_97 = vector.load %arg2[%swap3A_94, %swap3A_95, %swap3A_96] : memref<16x1024x128xf32, #tpu.memory_space<vmem>>, vector<1x1024x128xf32>
    %swap3A_98 = vector.shape_cast %swap3A_97 : vector<1x1024x128xf32> to vector<1024x128xf32>
    %swap3A_99 = vector.shape_cast %get3A_93 : vector<1024x128xf32> to vector<1x1024x128xf32>
    tpu.vector_store %arg2[%swap3A_94, %swap3A_95, %swap3A_96], %swap3A_99 {strides = array<i32>} : memref<16x1024x128xf32, #tpu.memory_space<vmem>>, vector<1x1024x128xf32>,
    %mul3A_100 = arith.constant 16 : i32
    %mul3A_101 = arith.muli %arg0, %mul3A_100 : i32
    %add3A_102 = arith.constant 7 : i32
    %add3A_103 = arith.addi %mul3A_101, %add3A_102 : i32
    %sub3A_104 = arith.constant 1023 : i32
    %sub3A_105 = arith.subi %sub3A_104, %add3A_103 : i32
    %get3A_106 = arith.index_cast %sub3A_105 : i32 to index
    %get3A_107 = arith.constant 0 : index
    %get3A_108 = vector.load %arg1[%get3A_106, %get3A_107] : memref<2048x128xf32, #tpu.memory_space<vmem>>, vector<1024x128xf32>
    %swap3A_109 = arith.constant 7 : index
    %swap3A_110 = arith.constant 0 : index
    %swap3A_111 = arith.constant 0 : index
    %swap3A_112 = vector.load %arg2[%swap3A_109, %swap3A_110, %swap3A_111] : memref<16x1024x128xf32, #tpu.memory_space<vmem>>, vector<1x1024x128xf32>
    %swap3A_113 = vector.shape_cast %swap3A_112 : vector<1x1024x128xf32> to vector<1024x128xf32>
    %swap3A_114 = vector.shape_cast %get3A_108 : vector<1024x128xf32> to vector<1x1024x128xf32>
    tpu.vector_store %arg2[%swap3A_109, %swap3A_110, %swap3A_111], %swap3A_114 {strides = array<i32>} : memref<16x1024x128xf32, #tpu.memory_space<vmem>>, vector<1x1024x128xf32>,
    %mul3A_115 = arith.constant 16 : i32
    %mul3A_116 = arith.muli %arg0, %mul3A_115 : i32
    %add3A_117 = arith.constant 8 : i32
    %add3A_118 = arith.addi %mul3A_116, %add3A_117 : i32
    %sub3A_119 = arith.constant 1023 : i32
    %sub3A_120 = arith.subi %sub3A_119, %add3A_118 : i32
    %get3A_121 = arith.index_cast %sub3A_120 : i32 to index
    %get3A_122 = arith.constant 0 : index
    %get3A_123 = vector.load %arg1[%get3A_121, %get3A_122] : memref<2048x128xf32, #tpu.memory_space<vmem>>, vector<1024x128xf32>
    %swap3A_124 = arith.constant 8 : index
    %swap3A_125 = arith.constant 0 : index
    %swap3A_126 = arith.constant 0 : index
    %swap3A_127 = vector.load %arg2[%swap3A_124, %swap3A_125, %swap3A_126] : memref<16x1024x128xf32, #tpu.memory_space<vmem>>, vector<1x1024x128xf32>
    %swap3A_128 = vector.shape_cast %swap3A_127 : vector<1x1024x128xf32> to vector<1024x128xf32>
    %swap3A_129 = vector.shape_cast %get3A_123 : vector<1024x128xf32> to vector<1x1024x128xf32>
    tpu.vector_store %arg2[%swap3A_124, %swap3A_125, %swap3A_126], %swap3A_129 {strides = array<i32>} : memref<16x1024x128xf32, #tpu.memory_space<vmem>>, vector<1x1024x128xf32>,
    %mul3A_130 = arith.constant 16 : i32
    %mul3A_131 = arith.muli %arg0, %mul3A_130 : i32
    %add3A_132 = arith.constant 9 : i32
    %add3A_133 = arith.addi %mul3A_131, %add3A_132 : i32
    %sub3A_134 = arith.constant 1023 : i32
    %sub3A_135 = arith.subi %sub3A_134, %add3A_133 : i32
    %get3A_136 = arith.index_cast %sub3A_135 : i32 to index
    %get3A_137 = arith.constant 0 : index
    %get3A_138 = vector.load %arg1[%get3A_136, %get3A_137] : memref<2048x128xf32, #tpu.memory_space<vmem>>, vector<1024x128xf32>
    %swap3A_139 = arith.constant 9 : index
    %swap3A_140 = arith.constant 0 : index
    %swap3A_141 = arith.constant 0 : index
    %swap3A_142 = vector.load %arg2[%swap3A_139, %swap3A_140, %swap3A_141] : memref<16x1024x128xf32, #tpu.memory_space<vmem>>, vector<1x1024x128xf32>
    %swap3A_143 = vector.shape_cast %swap3A_142 : vector<1x1024x128xf32> to vector<1024x128xf32>
    %swap3A_144 = vector.shape_cast %get3A_138 : vector<1024x128xf32> to vector<1x1024x128xf32>
    tpu.vector_store %arg2[%swap3A_139, %swap3A_140, %swap3A_141], %swap3A_144 {strides = array<i32>} : memref<16x1024x128xf32, #tpu.memory_space<vmem>>, vector<1x1024x128xf32>,
    %mul3A_145 = arith.constant 16 : i32
    %mul3A_146 = arith.muli %arg0, %mul3A_145 : i32
    %add3A_147 = arith.constant 10 : i32
    %add3A_148 = arith.addi %mul3A_146, %add3A_147 : i32
    %sub3A_149 = arith.constant 1023 : i32
    %sub3A_150 = arith.subi %sub3A_149, %add3A_148 : i32
    %get3A_151 = arith.index_cast %sub3A_150 : i32 to index
    %get3A_152 = arith.constant 0 : index
    %get3A_153 = vector.load %arg1[%get3A_151, %get3A_152] : memref<2048x128xf32, #tpu.memory_space<vmem>>, vector<1024x128xf32>
    %swap3A_154 = arith.constant 10 : index
    %swap3A_155 = arith.constant 0 : index
    %swap3A_156 = arith.constant 0 : index
    %swap3A_157 = vector.load %arg2[%swap3A_154, %swap3A_155, %swap3A_156] : memref<16x1024x128xf32, #tpu.memory_space<vmem>>, vector<1x1024x128xf32>
    %swap3A_158 = vector.shape_cast %swap3A_157 : vector<1x1024x128xf32> to vector<1024x128xf32>
    %swap3A_159 = vector.shape_cast %get3A_153 : vector<1024x128xf32> to vector<1x1024x128xf32>
    tpu.vector_store %arg2[%swap3A_154, %swap3A_155, %swap3A_156], %swap3A_159 {strides = array<i32>} : memref<16x1024x128xf32, #tpu.memory_space<vmem>>, vector<1x1024x128xf32>,
    %mul3A_160 = arith.constant 16 : i32
    %mul3A_161 = arith.muli %arg0, %mul3A_160 : i32
    %add3A_162 = arith.constant 11 : i32
    %add3A_163 = arith.addi %mul3A_161, %add3A_162 : i32
    %sub3A_164 = arith.constant 1023 : i32
    %sub3A_165 = arith.subi %sub3A_164, %add3A_163 : i32
    %get3A_166 = arith.index_cast %sub3A_165 : i32 to index
    %get3A_167 = arith.constant 0 : index
    %get3A_168 = vector.load %arg1[%get3A_166, %get3A_167] : memref<2048x128xf32, #tpu.memory_space<vmem>>, vector<1024x128xf32>
    %swap3A_169 = arith.constant 11 : index
    %swap3A_170 = arith.constant 0 : index
    %swap3A_171 = arith.constant 0 : index
    %swap3A_172 = vector.load %arg2[%swap3A_169, %swap3A_170, %swap3A_171] : memref<16x1024x128xf32, #tpu.memory_space<vmem>>, vector<1x1024x128xf32>
    %swap3A_173 = vector.shape_cast %swap3A_172 : vector<1x1024x128xf32> to vector<1024x128xf32>
    %swap3A_174 = vector.shape_cast %get3A_168 : vector<1024x128xf32> to vector<1x1024x128xf32>
    tpu.vector_store %arg2[%swap3A_169, %swap3A_170, %swap3A_171], %swap3A_174 {strides = array<i32>} : memref<16x1024x128xf32, #tpu.memory_space<vmem>>, vector<1x1024x128xf32>,
    %mul3A_175 = arith.constant 16 : i32
    %mul3A_176 = arith.muli %arg0, %mul3A_175 : i32
    %add3A_177 = arith.constant 12 : i32
    %add3A_178 = arith.addi %mul3A_176, %add3A_177 : i32
    %sub3A_179 = arith.constant 1023 : i32
    %sub3A_180 = arith.subi %sub3A_179, %add3A_178 : i32
    %get3A_181 = arith.index_cast %sub3A_180 : i32 to index
    %get3A_182 = arith.constant 0 : index
    %get3A_183 = vector.load %arg1[%get3A_181, %get3A_182] : memref<2048x128xf32, #tpu.memory_space<vmem>>, vector<1024x128xf32>
    %swap3A_184 = arith.constant 12 : index
    %swap3A_185 = arith.constant 0 : index
    %swap3A_186 = arith.constant 0 : index
    %swap3A_187 = vector.load %arg2[%swap3A_184, %swap3A_185, %swap3A_186] : memref<16x1024x128xf32, #tpu.memory_space<vmem>>, vector<1x1024x128xf32>
    %swap3A_188 = vector.shape_cast %swap3A_187 : vector<1x1024x128xf32> to vector<1024x128xf32>
    %swap3A_189 = vector.shape_cast %get3A_183 : vector<1024x128xf32> to vector<1x1024x128xf32>
    tpu.vector_store %arg2[%swap3A_184, %swap3A_185, %swap3A_186], %swap3A_189 {strides = array<i32>} : memref<16x1024x128xf32, #tpu.memory_space<vmem>>, vector<1x1024x128xf32>,
    %mul3A_190 = arith.constant 16 : i32
    %mul3A_191 = arith.muli %arg0, %mul3A_190 : i32
    %add3A_192 = arith.constant 13 : i32
    %add3A_193 = arith.addi %mul3A_191, %add3A_192 : i32
    %sub3A_194 = arith.constant 1023 : i32
    %sub3A_195 = arith.subi %sub3A_194, %add3A_193 : i32
    %get3A_196 = arith.index_cast %sub3A_195 : i32 to index
    %get3A_197 = arith.constant 0 : index
    %get3A_198 = vector.load %arg1[%get3A_196, %get3A_197] : memref<2048x128xf32, #tpu.memory_space<vmem>>, vector<1024x128xf32>
    %swap3A_199 = arith.constant 13 : index
    %swap3A_200 = arith.constant 0 : index
    %swap3A_201 = arith.constant 0 : index
    %swap3A_202 = vector.load %arg2[%swap3A_199, %swap3A_200, %swap3A_201] : memref<16x1024x128xf32, #tpu.memory_space<vmem>>, vector<1x1024x128xf32>
    %swap3A_203 = vector.shape_cast %swap3A_202 : vector<1x1024x128xf32> to vector<1024x128xf32>
    %swap3A_204 = vector.shape_cast %get3A_198 : vector<1024x128xf32> to vector<1x1024x128xf32>
    tpu.vector_store %arg2[%swap3A_199, %swap3A_200, %swap3A_201], %swap3A_204 {strides = array<i32>} : memref<16x1024x128xf32, #tpu.memory_space<vmem>>, vector<1x1024x128xf32>,
    %mul3A_205 = arith.constant 16 : i32
    %mul3A_206 = arith.muli %arg0, %mul3A_205 : i32
    %add3A_207 = arith.constant 14 : i32
    %add3A_208 = arith.addi %mul3A_206, %add3A_207 : i32
    %sub3A_209 = arith.constant 1023 : i32
    %sub3A_210 = arith.subi %sub3A_209, %add3A_208 : i32
    %get3A_211 = arith.index_cast %sub3A_210 : i32 to index
    %get3A_212 = arith.constant 0 : index
    %get3A_213 = vector.load %arg1[%get3A_211, %get3A_212] : memref<2048x128xf32, #tpu.memory_space<vmem>>, vector<1024x128xf32>
    %swap3A_214 = arith.constant 14 : index
    %swap3A_215 = arith.constant 0 : index
    %swap3A_216 = arith.constant 0 : index
    %swap3A_217 = vector.load %arg2[%swap3A_214, %swap3A_215, %swap3A_216] : memref<16x1024x128xf32, #tpu.memory_space<vmem>>, vector<1x1024x128xf32>
    %swap3A_218 = vector.shape_cast %swap3A_217 : vector<1x1024x128xf32> to vector<1024x128xf32>
    %swap3A_219 = vector.shape_cast %get3A_213 : vector<1024x128xf32> to vector<1x1024x128xf32>
    tpu.vector_store %arg2[%swap3A_214, %swap3A_215, %swap3A_216], %swap3A_219 {strides = array<i32>} : memref<16x1024x128xf32, #tpu.memory_space<vmem>>, vector<1x1024x128xf32>,
    %mul3A_220 = arith.constant 16 : i32
    %mul3A_221 = arith.muli %arg0, %mul3A_220 : i32
    %add3A_222 = arith.constant 15 : i32
    %add3A_223 = arith.addi %mul3A_221, %add3A_222 : i32
    %sub3A_224 = arith.constant 1023 : i32
    %sub3A_225 = arith.subi %sub3A_224, %add3A_223 : i32
    %get3A_226 = arith.index_cast %sub3A_225 : i32 to index
    %get3A_227 = arith.constant 0 : index
    %get3A_228 = vector.load %arg1[%get3A_226, %get3A_227] : memref<2048x128xf32, #tpu.memory_space<vmem>>, vector<1024x128xf32>
    %swap3A_229 = arith.constant 15 : index
    %swap3A_230 = arith.constant 0 : index
    %swap3A_231 = arith.constant 0 : index
    %swap3A_232 = vector.load %arg2[%swap3A_229, %swap3A_230, %swap3A_231] : memref<16x1024x128xf32, #tpu.memory_space<vmem>>, vector<1x1024x128xf32>
    %swap3A_233 = vector.shape_cast %swap3A_232 : vector<1x1024x128xf32> to vector<1024x128xf32>
    %swap3A_234 = vector.shape_cast %get3A_228 : vector<1024x128xf32> to vector<1x1024x128xf32>
    tpu.vector_store %arg2[%swap3A_229, %swap3A_230, %swap3A_231], %swap3A_234 {strides = array<i32>} : memref<16x1024x128xf32, #tpu.memory_space<vmem>>, vector<1x1024x128xf32>,
    return
  }
  func.func @transform_0(%arg0: i32) -> (i32, i32) {
    %c0_i32 = arith.constant 0 : i32
    %c0_i32_0 = arith.constant 0 : i32
    %c0_i32_1 = arith.constant 0 : i32
    return %c0_i32, %c0_i32_0 : i32, i32
  }
  func.func @transform_1(%arg0: i32) -> (i32, i32, i32) {
    %c0_i32 = arith.constant 0 : i32
    %c0_i32_0 = arith.constant 0 : i32
    %c0_i32_1 = arith.constant 0 : i32
    return %arg0, %c0_i32, %c0_i32_0 : i32, i32, i32
  }
}

</mosaic_0001>

<sc_bundles>
// kernel: kernel.4.cloned.1.call-start
scs
__scs_entry_jumppad:
0x0: {  	(pc) =	sbr.rel $0x88, $3  }
0x1: {  	(tag) =	ssettag $0x0;
	lr =	simm.s32 $0x1  }
0x2: {  	[smem:$0x3FA0] =	sst lr;
	_ =	strace $0xD0000000  }
0x3: {  	_ = 	snop  }
0x4: {  	_ = 	snop  }
0x5: {  	_ = 	snop  }
0x6: {  	_ = 	snop  }
0x7: {  	_ = 	snop  }
__scs_overlays_trampoline_lowered:
0x8: {  	[smem:$0x3FAF] =	sst s0  }
0x9: {  	[smem:$0x3FB0] =	sst s1  }
0xa: {  	[smem:$0x3FB1] =	sst s2  }
0xb: {  	[smem:$0x3FB2] =	sst s3  }
0xc: {  	[smem:$0x3FB3] =	sst s4  }
0xd: {  	[smem:$0x3FB4] =	sst s5  }
0xe: {  	[smem:$0x3FB5] =	sst s6  }
0xf: {  	[smem:$0x3FB6] =	sst s7  }
0x10: {  	[smem:$0x3FB7] =	sst s8  }
0x11: {  	[smem:$0x3FB8] =	sst s9;
	s0 =	simm.s32 @!p0 $0x0  }
0x12: {  	s1 =	sld [smem:$0x3F9E];
	s0 =	simm.s32 @p0 $0x1  }
0x13: {  	[smem:$0x3FB9] =	sst s0;
	s0 =	simm.s32 @!p1 $0x0  }
0x14: {  	s2 =	sld [smem:$0x3F9D];
	s0 =	simm.s32 @p1 $0x1  }
0x15: {  	[smem:$0x3FBA] =	sst s0;
	s0 =	simm.s32 @!p2 $0x0  }
0x16: {  	s3 =	sld [smem:$0x3FDB];
	s0 =	simm.s32 @p2 $0x1  }
0x17: {  	s4 =	simm.s32 $0x1BF5;
	[smem:$0x3FBC] =	sst s0  }
0x18: {  	s0 =	sld [smem:$0x3F9F];
	_ =	swait.ge [sflag:s4], $0x0  }
0x19: {  	s7 =	sld [smem:$0x3FA0]  }
0x1a: {  	s8 =	sadd.s32 $0xFFFFE003, lr  }
0x1b: {  	s9 =	sadd.s32 $0xFFFFFEF7, lr;
	s5 =	simm.s32 $0xFFFFFFFF;
	p2 =	slt.u32 s8, $0xFFFFF086  }
0x1c: {  	p1 =	slt.u32 s9, $0xF7A;
	s5 =	simm.s32 @!p2 $0x0  }
0x1d: {  	s5 =	simm.s32 @p1 $0x1;
	p0 =	seq.s32 s7, s2  }
0x1e: {  	s7 =	smul.u32 @!p0 $0xF7A, s2;
	p2 =	seq.s32 @!p0 s5, $0x0  }
0x1f: {  	s9 =	smul.u32 $0xF7A, s1;
	s8 =	simm.s32 @!p0 $0x1BF5;
	p2 =	por !p2, p0  }
0x20: {  	[sflag:s8] =	ssyncset.s32 @!p0 $0xFFFFF086;
	s6 =	sadd.s32 @!p0 s3, s7;
	s7 =	simm.s32 @!p0 $0x108  }
0x21: {  	s3 =	sadd.s32 s3, s9;
	s6 =	sadd.s32 @!p0 $0x88, s6;
	s7 =	simm.s32 @p2 $0x1082  }
0x22: {  	[simem:s7], [sflag:s8] =	dma.local @!p0 [hbm:s6], $0xF7A  }
0x23: {  	s9 =	sor.u32 $0xD0000000, s2;
	s6 =	simm.s32 $0x108;
	_ =	swait.ge @!p0 [sflag:s8], $0x0  }
0x24: {  	s3 =	sadd.s32 $0x88, s3;
	s6 =	simm.s32 @!p1 $0x1082;
	[sflag:s4] =	ssyncset.s32 $0xFFFFF086  }
0x25: {  	[simem:s6], [sflag:s4] =	dma.local [hbm:s3], $0xF7A  }
0x26: {  	[smem:$0x3FA0] =	sst s1;
	(tag) =	ssettag s2;
	_ =	strace s9  }
0x27: {  	s1 =	sld [smem:$0x3FB0]  }
0x28: {  	s2 =	sld [smem:$0x3FB1]  }
0x29: {  	s4 =	sld [smem:$0x3FB3]  }
0x2a: {  	p0 =	seq.s32 s5, $0x0;
	s5 =	sld [smem:$0x3FB4]  }
0x2b: {  	s6 =	sld [smem:$0x3FB5]  }
0x2c: {  	s7 =	sld [smem:$0x3FB6]  }
0x2d: {  	s3 =	simm.s32 $0x108;
	s8 =	sld [smem:$0x3FB7]  }
0x2e: {  	s3 =	simm.s32 @!p0 $0x1082;
	s9 =	sld [smem:$0x3FB8]  }
0x2f: {  	lr =	sadd.s32 s0, s3;
	s0 =	sld [smem:$0x3FAF]  }
0x30: {  	s3 =	sld [smem:$0x3FB2]  }
0x31: {  	[smem:$0x3FBB] =	sst s10  }
0x32: {  	s10 =	sld [smem:$0x3FB9];
	_ =	sdelay $0x3  }
0x33: {  	p0 =	seq.s32 s10, $0x1;
	s10 =	sld [smem:$0x3FBB];
	_ =	sdelay $0x3  }
0x34: {  	[smem:$0x3FBB] =	sst s10  }
0x35: {  	s10 =	sld [smem:$0x3FBA];
	_ =	sdelay $0x3  }
0x36: {  	p1 =	seq.s32 s10, $0x1;
	s10 =	sld [smem:$0x3FBB];
	_ =	sdelay $0x3  }
0x37: {  	[smem:$0x3FBB] =	sst s10  }
0x38: {  	s10 =	sld [smem:$0x3FBC]  }
0x39: {  	_ = 	snop;
	(pc) =	sbr.ind lr, $3  }
0x3a: {  	_ = 	snop  }
0x3b: {  	_ = 	snop  }
0x3c: {  	p2 =	seq.s32 s10, $0x1;
	s10 =	sld [smem:$0x3FBB]  }
0x3d: {  	_ =	shalt  }
0x3e: {  	_ =	shalt  }
0x3f: {  	_ =	shalt  }
0x40: {  	_ =	shalt  }
0x41: {  	_ =	shalt  }
0x42: {  	_ =	shalt  }
0x43: {  	_ =	shalt  }
0x44: {  	_ =	shalt  }
0x45: {  	_ =	shalt  }
0x46: {  	_ =	shalt  }
0x47: {  	_ =	shalt  }
0x48: {  	_ =	shalt  }
0x49: {  	_ =	shalt  }
0x4a: {  	_ =	shalt  }
0x4b: {  	_ =	shalt  }
0x4c: {  	_ =	shalt  }
0x4d: {  	_ =	shalt  }
0x4e: {  	_ =	shalt  }
0x4f: {  	_ =	shalt  }
0x50: {  	_ =	shalt  }
0x51: {  	_ =	shalt  }
0x52: {  	_ =	shalt  }
0x53: {  	_ =	shalt  }
0x54: {  	_ =	shalt  }
0x55: {  	_ =	shalt  }
0x56: {  	_ =	shalt  }
0x57: {  	_ =	shalt  }
0x58: {  	_ =	shalt  }
0x59: {  	_ =	shalt  }
0x5a: {  	_ =	shalt  }
0x5b: {  	_ =	shalt  }
0x5c: {  	_ =	shalt  }
0x5d: {  	_ =	shalt  }
0x5e: {  	_ =	shalt  }
0x5f: {  	_ =	shalt  }
0x60: {  	_ =	shalt  }
0x61: {  	_ =	shalt  }
0x62: {  	_ =	shalt  }
0x63: {  	_ =	shalt  }
0x64: {  	_ =	shalt  }
0x65: {  	_ =	shalt  }
0x66: {  	_ =	shalt  }
0x67: {  	_ =	shalt  }
0x68: {  	_ =	shalt  }
0x69: {  	_ =	shalt  }
0x6a: {  	_ =	shalt  }
0x6b: {  	_ =	shalt  }
0x6c: {  	_ =	shalt  }
0x6d: {  	_ =	shalt  }
0x6e: {  	_ =	shalt  }
0x6f: {  	_ =	shalt  }
0x70: {  	_ =	shalt  }
0x71: {  	_ =	shalt  }
0x72: {  	_ =	shalt  }
0x73: {  	_ =	shalt  }
0x74: {  	_ =	shalt  }
0x75: {  	_ =	shalt  }
0x76: {  	_ =	shalt  }
0x77: {  	_ =	shalt  }
0x78: {  	_ =	shalt  }
0x79: {  	_ =	shalt  }
0x7a: {  	_ =	shalt  }
0x7b: {  	_ =	shalt  }
0x7c: {  	_ =	shalt  }
0x7d: {  	_ =	shalt  }
0x7e: {  	_ =	shalt  }
0x7f: {  	_ =	shalt  }
0x80: {  	_ =	shalt  }
0x81: {  	_ =	shalt  }
0x82: {  	_ =	shalt  }
0x83: {  	_ =	shalt  }
0x84: {  	_ =	shalt  }
0x85: {  	_ =	shalt  }
0x86: {  	_ =	shalt  }
0x87: {  	_ =	shalt  }
.Lfunc_end0:
.L_simem_size_0:
called_computation_lowered:
.L_overlay_start_0:
0x88: {  	s2 =	sld [smem:$0x3FD9]  }
0x89: {  	s3 =	sld [smem:$0x3FFE];
	_ =	sdelay $0x1  }
0x8a: {  	s1 =	srdreg.scid  }
0x8b: {  	s0 =	sand.u32 $0x1, s1  }
0x8c: {  	s5 =	sshll.u32 s0, $0xA;
	s2 =	sadd.s32 s3, s2  }
0x8d: {  	s2 =	sadd.s32 s2, s5  }
0x8e: {  	s4 =	simm.s32 $0x0;
	[smem:$0x3FC7] =	sst s2  }
0x8f: {  	[smem:$0xF] =	sst s4  }
0x90: {  	s2 =	sld [smem:$0x3FC9]  }
0x91: {  	s3 =	sld [smem:$0x3FD0];
	(tm) =	ssettm $0x1  }
0x92: {  	s6 =	sld [smem:$0x3FFB];
	_ =	sdelay $0x3  }
0x93: {  	_ =	strace s6  }
0x94: {  	s6 =	sld [smem:$0x3FFC];
	_ =	sdelay $0x3  }
0x95: {  	_ =	strace s6  }
0x96: {  	s6 =	sld [smem:$0x3FFD];
	_ =	sdelay $0x3  }
0x97: {  	_ =	strace s6  }
0x98: {  	s31 =	simm.s32 $0x1B8B;
	_ =	strace $0x8FFFFFFF  }
0x99: {  	s7 =	simm.s32 $0x1B8E;
	_ =	swait.ge [sflag:s31], $0x1  }
0x9a: {  	s8 =	simm.s32 $0x10;
	s6 =	ssub.s32 $0x3FF, s5;
	[sflag:s31] =	ssyncset.done $0x0  }
0x9b: {  	p0 =	sgt.s32 s6, $0xFFFFFF80;
	s9 =	smov.u32 s6;
	[sflag:s31] =	ssyncadd.s32 $0xFFFFFFFF  }
0x9c: {  	s5 =	simm.s32 $0x9;
	s9 =	simm.s32 @!p0 $0xFFFFFF80;
	[smem:$0x3FD2] =	sst s7  }
0x9d: {  	p1 =	slt.s32 s9, $0x80;
	s7 =	sshll.u32 s0, $0xE;
	_ =	strace $0x80000046  }
.LBB1_1:
0x9e: {  	p0 =	sne.s32 s8, $0x3FF0  }
0x9f: {  	s9 =	simm.s32 @!p1 $0x80;
	s10 =	sadd.s32 s4, s7;
	s6 =	sadd.s32 $0xFFFFFFFF, s6  }
0xa0: {  	s4 =	sand.u32 $0x70, s4;
	s9 =	sshll.u32 s9, $0x7;
	s10 =	sand.u32 $0x7F80, s10  }
0xa1: {  	p1 =	sgt.s32 s6, $0xFFFFFF80;
	s4 =	sadd.s32 s3, s4;
	s9 =	sadd.s32 $0x4000, s9  }
.Ltmp0:
0xa2: {  	s11 =	sshrl.u32 s9, $0x3;
	s9 =	smov.u32 s6;
	(pc) =	sbr.rel @p0 .LBB1_1-.Ltmp0, $3  }
0xa3: {  	s4 =	sadd.s32 s10, s4;
	s9 =	simm.s32 @!p1 $0xFFFFFF80;
	s10 =	sadd.s32 s2, s11  }
0xa4: {  	[hbm:s4], [sflag:s5] =	dma.local [hbm:s10], $0x10  }
0xa5: {  	p1 =	slt.s32 s9, $0x80;
	s4 =	smov.u32 s8;
	s8 =	sadd.s32 $0x10, s8  }
0xa6: {  	s9 =	simm.s32 @!p1 $0x80  }
0xa7: {  	s6 =	sshll.u32 s9, $0x7  }
0xa8: {  	s7 =	sadd.s32 s4, s7;
	s30 =	sand.u32 $0x70, s4;
	s6 =	sadd.s32 $0x4000, s6  }
0xa9: {  	s7 =	sand.u32 $0x7F80, s7;
	s3 =	sadd.s32 s3, s30;
	s31 =	sshrl.u32 s6, $0x3  }
0xaa: {  	s3 =	sadd.s32 s7, s3;
	s2 =	sadd.s32 s2, s31  }
0xab: {  	[hbm:s3], [sflag:s5] =	dma.local [hbm:s2], $0x10  }
0xac: {  	s2 =	simm.s32 $0x9  }
0xad: {  	_ =	swait.ge [sflag:s2], $0x10  }
0xae: {  	s3 =	simm.s32 $0x3FF;
	[sflag:s2] =	ssyncset.done $0x0  }
.LBB1_3:
0xaf: {  	p0 =	sne.s32 s3, $0x1;
	s3 =	sadd.s32 $0xFFFFFFFF, s3;
	[sflag:s2] =	ssyncadd.s32 $0xFFFFFFF0  }
.Ltmp1:
0xb0: {  	(pc) =	sbr.rel @p0 .LBB1_3-.Ltmp1, $3  }
0xb1: {  	_ = 	snop  }
0xb2: {  	_ =	swait.ge [sflag:s2], $0x10  }
0xb3: {  	[sflag:s2] =	ssyncset.done $0x0  }
0xb4: {  	[sflag:s2] =	ssyncadd.s32 $0xFFFFFFF0  }
0xb5: {  	_ =	strace $0x90000046  }
0xb6: {  	_ =	sfence  }
0xb7: {  	s30 =	sld [smem:$0x0];
	_ =	sdelay $0x2  }
0xb8: {  	s3 =	sshll.u32 s1, $0xD;
	s31 =	sshrl.u32 s1, $0x2  }
0xb9: {  	s3 =	sand.u32 $0x4000, s3;
	s1 =	sadd.s32 s31, s30  }
0xba: {  	s0 =	sor.u32 s3, s0;
	s1 =	sshll.u32 s1, $0x11  }
0xbb: {  	s0 =	sor.u32 s1, s0  }
0xbc: {  	s0 =	sadd.s32 $0x8F2B, s0;
	(pc) =	sbr.abs _section_cstart, $3  }
0xbd: {  	[sflag:s0] =	ssyncadd.remote.s32 $0x1  }
0xbe: {  	_ =	strace $0x9FFFFFFF  }
0xbf: {  	(tm) =	ssettm $0x7FFFFFFF  }

</sc_bundles>
